<compile_context>
chip_gen: v7x
topology: tpu7x:2x2x1
jax: 0.10.2.dev20260603
libtpu: 0.0.44.dev20260713+nightly
codegen_flags: <defaults>
</compile_context>

<pallas_src>
import functools

import jax
import jax.numpy as jnp
from jax import lax
from jax.experimental import pallas as pl
from jax.experimental.pallas import tpu as pltpu
from jax.experimental.pallas import tpu_sc as plsc

_NT = 50
_NTP = 128
_LANES = 16
_CHUNK = 128
_HSPLIT = 8


def _stage_a_sc(wt, ids, nh, ell, hsplit):
    b = ids.shape[0]
    nsc = nh - hsplit
    nrows = b * nsc * ell
    nw = 32
    per_w = nrows // nw
    nchunk = per_w // _CHUNK
    mesh = plsc.VectorSubcoreMesh(core_axis_name="c", subcore_axis_name="s")

    @functools.partial(
        pl.kernel,
        mesh=mesh,
        out_type=jax.ShapeDtypeStruct((nrows, _NTP), jnp.float32),
        compiler_params=pltpu.CompilerParams(needs_layout_passes=False),
        scratch_types=[
            pltpu.VMEM((b, ell), jnp.int32),
            pltpu.VMEM((nchunk, _CHUNK), jnp.int32),
            pltpu.VMEM((_CHUNK, _NTP), jnp.float32),
            pltpu.VMEM((_CHUNK, _NTP), jnp.float32),
            pltpu.SemaphoreType.DMA,
            pltpu.SemaphoreType.DMA,
            pltpu.SemaphoreType.DMA,
            pltpu.SemaphoreType.DMA,
        ],
    )
    def k(wt_hbm, ids_hbm, tp_hbm, ids_v, idx_v, rows_a, rows_b,
          gsem_a, gsem_b, osem_a, osem_b):
        cid = lax.axis_index("c")
        sid = lax.axis_index("s")
        wid = sid * 2 + cid
        base = wid * per_w
        pltpu.sync_copy(ids_hbm, ids_v)

        def c_loop(c, carry):
            def v_loop(v, c2):
                r = base + c * _CHUNK + v * _LANES + lax.iota(jnp.int32, 16)
                bh = r // ell
                i = r - bh * ell
                bb = bh // nsc
                hh = bh - bb * nsc + hsplit
                tag = plsc.load_gather(ids_v, [bb, i])
                idx_v[c, pl.ds(v * _LANES, _LANES)] = hh * _NT + tag
                return c2
            return lax.fori_loop(0, _CHUNK // _LANES, v_loop, carry)
        lax.fori_loop(0, nchunk, c_loop, 0)

        bufs = [rows_a, rows_b]
        gsems = [gsem_a, gsem_b]
        osems = [osem_a, osem_b]
        gcp = [None] * nchunk
        ocp = [None] * nchunk
        gcp[0] = pltpu.async_copy(wt_hbm.at[idx_v.at[0]], bufs[0], gsems[0])
        for c in range(nchunk):
            if c + 1 < nchunk:
                if c >= 1:
                    ocp[c - 1].wait()
                gcp[c + 1] = pltpu.async_copy(
                    wt_hbm.at[idx_v.at[c + 1]],
                    bufs[(c + 1) % 2], gsems[(c + 1) % 2])
            gcp[c].wait()
            ocp[c] = pltpu.async_copy(
                bufs[c % 2],
                tp_hbm.at[pl.ds(base + c * _CHUNK, _CHUNK)],
                osems[c % 2])
        ocp[nchunk - 2].wait()
        ocp[nchunk - 1].wait()

    return k(wt, ids)


def _tc_body(idsi_ref, idsj_ref, w_ref, p_ref, out_ref):
    ti = out_ref.shape[2]
    ell = out_ref.shape[3]
    hh = pl.program_id(1)
    idsi = idsi_ref[0]

    @pl.when(hh < _HSPLIT)
    def _():
        idsj = idsj_ref[0]
        w = w_ref[0]
        s_iota = jax.lax.broadcasted_iota(jnp.int32, (_NT, ell), 0)
        oj = (idsj == s_iota).astype(jnp.float32)
        p = jnp.dot(w, oj, preferred_element_type=jnp.float32)
        t_iota = jax.lax.broadcasted_iota(jnp.int32, (_NT, ti), 0)
        oit = (idsi == t_iota).astype(jnp.float32)
        out_ref[0, 0] = jax.lax.dot_general(
            oit, p, (((0,), (0,)), ((), ())),
            preferred_element_type=jnp.float32)

    @pl.when(hh >= _HSPLIT)
    def _():
        p2 = p_ref[0, 0]
        t_iota = jax.lax.broadcasted_iota(jnp.int32, (_NTP, ti), 0)
        oit = (idsi == t_iota).astype(jnp.float32)
        out_ref[0, 0] = jax.lax.dot_general(
            oit, p2, (((0,), (1,)), ((), ())),
            preferred_element_type=jnp.float32)


def kernel(postag_ids, bias_table):
    ids = postag_ids.astype(jnp.int32)
    b, ell = ids.shape
    nh = bias_table.shape[1]
    nsc = nh - _HSPLIT
    wt = jnp.transpose(bias_table.reshape(_NT, _NT, nh), (2, 1, 0))
    wt = jnp.pad(wt, ((0, 0), (0, 0), (0, _NTP - _NT))).reshape(nh * _NT, _NTP)
    wm = bias_table.T.reshape(nh, _NT, _NT)[:_HSPLIT]

    tp = _stage_a_sc(wt, ids, nh, ell, _HSPLIT).reshape(b, nsc, ell, _NTP)

    ti = 1024
    ids3 = ids.reshape(b, 1, ell)
    grid = (b, nh, ell // ti)
    return pl.pallas_call(
        _tc_body,
        grid=grid,
        in_specs=[
            pl.BlockSpec((1, 1, ti), lambda bb, hh, it: (bb, 0, it)),
            pl.BlockSpec((1, 1, ell), lambda bb, hh, it: (bb, 0, 0)),
            pl.BlockSpec((1, _NT, _NT),
                         lambda bb, hh, it: (jnp.minimum(hh, _HSPLIT - 1),
                                             0, 0)),
            pl.BlockSpec((1, 1, ell, _NTP),
                         lambda bb, hh, it: (bb,
                                             jnp.maximum(hh - _HSPLIT, 0),
                                             0, 0)),
        ],
        out_specs=pl.BlockSpec((1, 1, ti, ell),
                               lambda bb, hh, it: (bb, hh, it, 0)),
        out_shape=jax.ShapeDtypeStruct((b, nh, ell, ell), jnp.float32),
    )(ids3, ids3, wm, tp)

# --- scband reference (transcript-rebuilt; emitter-appended) ---
"""Pipeline reference for scband-postag-60378650247489 (READ-ONLY COPY).

The authoritative reference and input builder live on the scoring server;
editing this copy changes nothing except your own understanding.
"""

import jax, jax.numpy as jnp
import numpy as np

N_POSTAGS = 50
N_HEADS = 12

def setup_inputs(seed: int = 0) -> dict:
    key = jax.random.key(seed)
    k1, k2 = jax.random.split(key)
    postag_ids = jax.random.randint(k1, (2, 2048), 0, N_POSTAGS, dtype=jnp.int32)
    bias_table = jax.random.normal(k2, (N_POSTAGS * N_POSTAGS, N_HEADS), dtype=jnp.float32)
    return {"postag_ids": postag_ids, "bias_table": bias_table}

def reference(postag_ids, bias_table):
    ids = postag_ids.astype(jnp.int32)
    B, L = ids.shape
    tag_i = ids[:, :, None]            # [B, L, 1] -> broadcast [B, L, L]
    tag_j = ids[:, None, :]            # [B, 1, L] -> broadcast [B, L, L]
    pair_index = tag_i * N_POSTAGS + tag_j   # [B, L, L]
    bias = jnp.take(bias_table, pair_index, axis=0)  # [B, L, L, H]
    bias = jnp.transpose(bias, (0, 3, 1, 2))          # [B, H, L, L]
    return bias

if __name__ == "__main__":
    import jax
    _d = setup_inputs()
    print(jax.jit(kernel)(*tuple(_d.values())))

</pallas_src>

<mosaic_0001>
#map = affine_map<(d0, d1) -> (0, 0)>
module attributes {stable_mosaic.version = 14 : i64} {
  func.func @k(%arg0: i32, %arg1: i32, %arg2: memref<600x128xf32, #tpu.memory_space<hbm>>, %arg3: memref<2x2048xi32, #tpu.memory_space<hbm>>, %arg4: memref<16384x128xf32, #tpu.memory_space<hbm>>, %arg5: memref<2x2048xi32, #tpu.memory_space<vmem>>, %arg6: memref<4x128xi32, #tpu.memory_space<vmem>>, %arg7: memref<128x128xf32, #tpu.memory_space<vmem>>, %arg8: memref<128x128xf32, #tpu.memory_space<vmem>>, %arg9: memref<!tpu.dma_semaphore, #tpu.memory_space<semaphore_mem>>, %arg10: memref<!tpu.dma_semaphore, #tpu.memory_space<semaphore_mem>>, %arg11: memref<!tpu.dma_semaphore, #tpu.memory_space<semaphore_mem>>, %arg12: memref<!tpu.dma_semaphore, #tpu.memory_space<semaphore_mem>>) attributes {dimension_semantics = [#tpu.dimension_semantics<core_parallel>, #tpu.dimension_semantics<subcore_parallel>], iteration_bounds = array<i64: 2, 16>, scalar_prefetch = 0 : i64, scratch_operands = 8 : i64, tpu.core_type = #tpu.core_type<sc_vector_subcore>, window_params = [{transform_indices = #map}, {transform_indices = #map}, {transform_indices = #map}]} {
    %mul3A = arith.constant 2 : i32
    %mul3A_0 = arith.muli %arg1, %mul3A : i32
    %add3A = arith.addi %mul3A_0, %arg0 : i32
    %mul3A_1 = arith.constant 512 : i32
    %mul3A_2 = arith.muli %add3A, %mul3A_1 : i32
    "tpu.region"() ({
      %run_scoped3A = tpu.sem_alloc : memref<!tpu.dma_semaphore, #tpu.memory_space<semaphore_mem>>
      tpu.enqueue_dma source(%arg3 : memref<2x2048xi32, #tpu.memory_space<hbm>>) target(%arg5 : memref<2x2048xi32, #tpu.memory_space<vmem>>) target_semaphore(%run_scoped3A : memref<!tpu.dma_semaphore, #tpu.memory_space<semaphore_mem>>)
      tpu.wait_dma2 semaphore(%run_scoped3A : memref<!tpu.dma_semaphore, #tpu.memory_space<semaphore_mem>>) src(%arg3 : memref<2x2048xi32, #tpu.memory_space<hbm>>) dst(%arg5 : memref<2x2048xi32, #tpu.memory_space<vmem>>)
      tpu.yield
    }) : () -> ()
    %scan3A = arith.constant 0 : i32
    %scan3A_3 = arith.constant 0 : i32
    %scan3A_4 = arith.constant 4 : i32
    %scan3A_5 = arith.addi %scan3A_3, %scan3A_4 : i32
    %scan3A_6 = arith.constant 1 : i32
    scf.for %scan3A_102 = %scan3A_3 to %scan3A_5 step %scan3A_6  : i32 {
      %scan3A_103 = arith.constant 0 : i32
      %scan3A_104 = arith.constant 8 : i32
      %scan3A_105 = arith.addi %scan3A_103, %scan3A_104 : i32
      %scan3A_106 = arith.constant 1 : i32
      scf.for %scan3A_108 = %scan3A_103 to %scan3A_105 step %scan3A_106  : i32 {
        %mul3A_109 = arith.constant 128 : i32
        %mul3A_110 = arith.muli %scan3A_102, %mul3A_109 : i32
        %add3A_111 = arith.addi %mul3A_2, %mul3A_110 : i32
        %mul3A_112 = arith.constant 16 : i32
        %mul3A_113 = arith.muli %scan3A_108, %mul3A_112 : i32
        %add3A_114 = arith.addi %add3A_111, %mul3A_113 : i32
        %iota3A = tpu.iota {dimensions = array<i32: 0>} : vector<16xi32>
        %add3A_115 = vector.broadcast %add3A_114 : i32 to vector<16xi32>
        %add3A_116 = arith.addi %add3A_115, %iota3A : vector<16xi32>
        %jit3A = arith.constant 2048 : i32
        %div3A = vector.broadcast %jit3A : i32 to vector<16xi32>
        %div3A_117 = arith.divsi %add3A_116, %div3A : vector<16xi32>
        %sign3A = arith.constant 0 : i32
        %sign3A_118 = vector.broadcast %sign3A : i32 to vector<16xi32>
        %sign3A_119 = arith.cmpi sgt, %add3A_116, %sign3A_118 : vector<16xi32>
        %sign3A_120 = arith.extui %sign3A_119 : vector<16xi1> to vector<16xi32>
        %sign3A_121 = arith.constant 0 : i32
        %sign3A_122 = vector.broadcast %sign3A_121 : i32 to vector<16xi32>
        %sign3A_123 = arith.cmpi slt, %add3A_116, %sign3A_122 : vector<16xi32>
        %sign3A_124 = arith.extui %sign3A_123 : vector<16xi1> to vector<16xi32>
        %sign3A_125 = arith.subi %sign3A_120, %sign3A_124 : vector<16xi32>
        %sign3A_126 = arith.constant 0 : i32
        %sign3A_127 = arith.cmpi sgt, %jit3A, %sign3A_126 : i32
        %sign3A_128 = arith.extui %sign3A_127 : i1 to i32
        %sign3A_129 = arith.constant 0 : i32
        %sign3A_130 = arith.cmpi slt, %jit3A, %sign3A_129 : i32
        %sign3A_131 = arith.extui %sign3A_130 : i1 to i32
        %sign3A_132 = arith.subi %sign3A_128, %sign3A_131 : i32
        %ne3A = vector.broadcast %sign3A_132 : i32 to vector<16xi32>
        %ne3A_133 = arith.cmpi ne, %sign3A_125, %ne3A : vector<16xi32>
        %rem3A = vector.broadcast %jit3A : i32 to vector<16xi32>
        %rem3A_134 = arith.remsi %add3A_116, %rem3A : vector<16xi32>
        %ne3A_135 = arith.constant 0 : i32
        %ne3A_136 = vector.broadcast %ne3A_135 : i32 to vector<16xi32>
        %ne3A_137 = arith.cmpi ne, %rem3A_134, %ne3A_136 : vector<16xi32>
        %and3A = arith.andi %ne3A_133, %ne3A_137 : vector<16xi1>
        %sub3A = arith.constant 1 : i32
        %sub3A_138 = vector.broadcast %sub3A : i32 to vector<16xi32>
        %sub3A_139 = arith.subi %div3A_117, %sub3A_138 : vector<16xi32>
        %select_n3A = arith.select %and3A, %sub3A_139, %div3A_117 : vector<16xi1>, vector<16xi32>
        %mul3A_140 = arith.constant 2048 : i32
        %mul3A_141 = vector.broadcast %mul3A_140 : i32 to vector<16xi32>
        %mul3A_142 = arith.muli %select_n3A, %mul3A_141 : vector<16xi32>
        %sub3A_143 = arith.subi %add3A_116, %mul3A_142 : vector<16xi32>
        %jit3A_144 = arith.constant 4 : i32
        %div3A_145 = vector.broadcast %jit3A_144 : i32 to vector<16xi32>
        %div3A_146 = arith.divsi %select_n3A, %div3A_145 : vector<16xi32>
        %sign3A_147 = arith.constant 0 : i32
        %sign3A_148 = vector.broadcast %sign3A_147 : i32 to vector<16xi32>
        %sign3A_149 = arith.cmpi sgt, %select_n3A, %sign3A_148 : vector<16xi32>
        %sign3A_150 = arith.extui %sign3A_149 : vector<16xi1> to vector<16xi32>
        %sign3A_151 = arith.constant 0 : i32
        %sign3A_152 = vector.broadcast %sign3A_151 : i32 to vector<16xi32>
        %sign3A_153 = arith.cmpi slt, %select_n3A, %sign3A_152 : vector<16xi32>
        %sign3A_154 = arith.extui %sign3A_153 : vector<16xi1> to vector<16xi32>
        %sign3A_155 = arith.subi %sign3A_150, %sign3A_154 : vector<16xi32>
        %sign3A_156 = arith.constant 0 : i32
        %sign3A_157 = arith.cmpi sgt, %jit3A_144, %sign3A_156 : i32
        %sign3A_158 = arith.extui %sign3A_157 : i1 to i32
        %sign3A_159 = arith.constant 0 : i32
        %sign3A_160 = arith.cmpi slt, %jit3A_144, %sign3A_159 : i32
        %sign3A_161 = arith.extui %sign3A_160 : i1 to i32
        %sign3A_162 = arith.subi %sign3A_158, %sign3A_161 : i32
        %ne3A_163 = vector.broadcast %sign3A_162 : i32 to vector<16xi32>
        %ne3A_164 = arith.cmpi ne, %sign3A_155, %ne3A_163 : vector<16xi32>
        %rem3A_165 = vector.broadcast %jit3A_144 : i32 to vector<16xi32>
        %rem3A_166 = arith.remsi %select_n3A, %rem3A_165 : vector<16xi32>
        %ne3A_167 = arith.constant 0 : i32
        %ne3A_168 = vector.broadcast %ne3A_167 : i32 to vector<16xi32>
        %ne3A_169 = arith.cmpi ne, %rem3A_166, %ne3A_168 : vector<16xi32>
        %and3A_170 = arith.andi %ne3A_164, %ne3A_169 : vector<16xi1>
        %sub3A_171 = arith.constant 1 : i32
        %sub3A_172 = vector.broadcast %sub3A_171 : i32 to vector<16xi32>
        %sub3A_173 = arith.subi %div3A_146, %sub3A_172 : vector<16xi32>
        %select_n3A_174 = arith.select %and3A_170, %sub3A_173, %div3A_146 : vector<16xi1>, vector<16xi32>
        %mul3A_175 = arith.constant 4 : i32
        %mul3A_176 = vector.broadcast %mul3A_175 : i32 to vector<16xi32>
        %mul3A_177 = arith.muli %select_n3A_174, %mul3A_176 : vector<16xi32>
        %sub3A_178 = arith.subi %select_n3A, %mul3A_177 : vector<16xi32>
        %add3A_179 = arith.constant 8 : i32
        %add3A_180 = vector.broadcast %add3A_179 : i32 to vector<16xi32>
        %add3A_181 = arith.addi %sub3A_178, %add3A_180 : vector<16xi32>
        %gather3A = tpu.vector_load_idx %arg5[%select_n3A_174, %sub3A_143] : memref<2x2048xi32, #tpu.memory_space<vmem>>[vector<16xi32>, vector<16xi32>], vector<16xi32>,
        %mul3A_182 = arith.constant 50 : i32
        %mul3A_183 = vector.broadcast %mul3A_182 : i32 to vector<16xi32>
        %mul3A_184 = arith.muli %add3A_181, %mul3A_183 : vector<16xi32>
        %add3A_185 = arith.addi %mul3A_184, %gather3A : vector<16xi32>
        %mul3A_186 = arith.constant 16 : i32
        %mul3A_187 = arith.muli %scan3A_108, %mul3A_186 : i32
        %swap3A = arith.index_cast %scan3A_102 : i32 to index
        %swap3A_188 = arith.index_cast %mul3A_187 : i32 to index
        %swap3A_189 = tpu.vector_load %arg6[%swap3A, %swap3A_188] {strides = array<i32>} : memref<4x128xi32, #tpu.memory_space<vmem>>, vector<16xi32>,
        tpu.vector_store %arg6[%swap3A, %swap3A_188], %add3A_185 {strides = array<i32>} : memref<4x128xi32, #tpu.memory_space<vmem>>, vector<16xi32>,
      }
      %scan3A_107 = arith.constant 8 : i32
    }
    %scan3A_7 = arith.constant 4 : i32
    %dma_start3A = arith.constant 0 : i32
    %dma_start3A_8 = arith.constant 0 : i32
    %dma_start3A_9 = tpu.memref_slice %arg6[%dma_start3A, %dma_start3A_8] : memref<4x128xi32, #tpu.memory_space<vmem>> -> memref<1x128xi32, #tpu.memory_space<vmem>>
    %dma_start3A_10 = tpu.memref_squeeze %dma_start3A_9 : memref<1x128xi32, #tpu.memory_space<vmem>> -> memref<128xi32, #tpu.memory_space<vmem>>
    %dma_start3A_11 = arith.constant 0 : i32
    %dma_start3A_12 = arith.constant 0 : i32
    %dma_start3A_13 = tpu.memref_slice %arg2[%dma_start3A_11, %dma_start3A_12] : memref<600x128xf32, #tpu.memory_space<hbm>> -> memref<600x128xf32, #tpu.memory_space<hbm>>
    tpu.enqueue_indirect_dma source(%dma_start3A_13 : memref<600x128xf32, #tpu.memory_space<hbm>>) target(%arg7 : memref<128x128xf32, #tpu.memory_space<vmem>>) offsets(%dma_start3A_10 : memref<128xi32, #tpu.memory_space<vmem>>) semaphore(%arg9 : memref<!tpu.dma_semaphore, #tpu.memory_space<semaphore_mem>>)
    %dma_start3A_14 = arith.constant 1 : i32
    %dma_start3A_15 = arith.constant 0 : i32
    %dma_start3A_16 = tpu.memref_slice %arg6[%dma_start3A_14, %dma_start3A_15] : memref<4x128xi32, #tpu.memory_space<vmem>> -> memref<1x128xi32, #tpu.memory_space<vmem>>
    %dma_start3A_17 = tpu.memref_squeeze %dma_start3A_16 : memref<1x128xi32, #tpu.memory_space<vmem>> -> memref<128xi32, #tpu.memory_space<vmem>>
    %dma_start3A_18 = arith.constant 0 : i32
    %dma_start3A_19 = arith.constant 0 : i32
    %dma_start3A_20 = tpu.memref_slice %arg2[%dma_start3A_18, %dma_start3A_19] : memref<600x128xf32, #tpu.memory_space<hbm>> -> memref<600x128xf32, #tpu.memory_space<hbm>>
    tpu.enqueue_indirect_dma source(%dma_start3A_20 : memref<600x128xf32, #tpu.memory_space<hbm>>) target(%arg8 : memref<128x128xf32, #tpu.memory_space<vmem>>) offsets(%dma_start3A_17 : memref<128xi32, #tpu.memory_space<vmem>>) semaphore(%arg10 : memref<!tpu.dma_semaphore, #tpu.memory_space<semaphore_mem>>)
    %dma_wait3A = arith.constant 0 : i32
    %dma_wait3A_21 = arith.constant 0 : i32
    %dma_wait3A_22 = tpu.memref_slice %arg6[%dma_wait3A, %dma_wait3A_21] : memref<4x128xi32, #tpu.memory_space<vmem>> -> memref<1x128xi32, #tpu.memory_space<vmem>>
    %dma_wait3A_23 = tpu.memref_squeeze %dma_wait3A_22 : memref<1x128xi32, #tpu.memory_space<vmem>> -> memref<128xi32, #tpu.memory_space<vmem>>
    %dma_wait3A_24 = arith.constant 0 : i32
    %dma_wait3A_25 = arith.constant 0 : i32
    %dma_wait3A_26 = tpu.memref_slice %arg2[%dma_wait3A_24, %dma_wait3A_25] : memref<600x128xf32, #tpu.memory_space<hbm>> -> memref<600x128xf32, #tpu.memory_space<hbm>>
    tpu.wait_indirect_dma semaphore(%arg9 : memref<!tpu.dma_semaphore, #tpu.memory_space<semaphore_mem>>) src(%dma_wait3A_26 : memref<600x128xf32, #tpu.memory_space<hbm>>) dst(%arg7 : memref<128x128xf32, #tpu.memory_space<vmem>>)
    %add3A_27 = arith.constant 0 : i32
    %add3A_28 = arith.addi %mul3A_2, %add3A_27 : i32
    %dma_start3A_29 = arith.constant 0 : i32
    %dma_start3A_30 = tpu.memref_slice %arg4[%add3A_28, %dma_start3A_29] : memref<16384x128xf32, #tpu.memory_space<hbm>> -> memref<128x128xf32, #tpu.memory_space<hbm>>
    %dma_start3A_31 = arith.constant 0 : i32
    %dma_start3A_32 = tpu.memref_slice %arg4[%add3A_28, %dma_start3A_31] : memref<16384x128xf32, #tpu.memory_space<hbm>> -> memref<128x128xf32, #tpu.memory_space<hbm>>
    tpu.enqueue_dma source(%arg7 : memref<128x128xf32, #tpu.memory_space<vmem>>) target(%dma_start3A_32 : memref<128x128xf32, #tpu.memory_space<hbm>>) target_semaphore(%arg11 : memref<!tpu.dma_semaphore, #tpu.memory_space<semaphore_mem>>)
    %dma_wait3A_33 = arith.constant 0 : i32
    %dma_wait3A_34 = tpu.memref_slice %arg4[%add3A_28, %dma_wait3A_33] : memref<16384x128xf32, #tpu.memory_space<hbm>> -> memref<128x128xf32, #tpu.memory_space<hbm>>
    %dma_wait3A_35 = arith.constant 0 : i32
    %dma_wait3A_36 = tpu.memref_slice %arg4[%add3A_28, %dma_wait3A_35] : memref<16384x128xf32, #tpu.memory_space<hbm>> -> memref<128x128xf32, #tpu.memory_space<hbm>>
    tpu.wait_dma2 semaphore(%arg11 : memref<!tpu.dma_semaphore, #tpu.memory_space<semaphore_mem>>) src(%arg7 : memref<128x128xf32, #tpu.memory_space<vmem>>) dst(%dma_wait3A_36 : memref<128x128xf32, #tpu.memory_space<hbm>>)
    %dma_start3A_37 = arith.constant 2 : i32
    %dma_start3A_38 = arith.constant 0 : i32
    %dma_start3A_39 = tpu.memref_slice %arg6[%dma_start3A_37, %dma_start3A_38] : memref<4x128xi32, #tpu.memory_space<vmem>> -> memref<1x128xi32, #tpu.memory_space<vmem>>
    %dma_start3A_40 = tpu.memref_squeeze %dma_start3A_39 : memref<1x128xi32, #tpu.memory_space<vmem>> -> memref<128xi32, #tpu.memory_space<vmem>>
    %dma_start3A_41 = arith.constant 0 : i32
    %dma_start3A_42 = arith.constant 0 : i32
    %dma_start3A_43 = tpu.memref_slice %arg2[%dma_start3A_41, %dma_start3A_42] : memref<600x128xf32, #tpu.memory_space<hbm>> -> memref<600x128xf32, #tpu.memory_space<hbm>>
    tpu.enqueue_indirect_dma source(%dma_start3A_43 : memref<600x128xf32, #tpu.memory_space<hbm>>) target(%arg7 : memref<128x128xf32, #tpu.memory_space<vmem>>) offsets(%dma_start3A_40 : memref<128xi32, #tpu.memory_space<vmem>>) semaphore(%arg9 : memref<!tpu.dma_semaphore, #tpu.memory_space<semaphore_mem>>)
    %dma_wait3A_44 = arith.constant 1 : i32
    %dma_wait3A_45 = arith.constant 0 : i32
    %dma_wait3A_46 = tpu.memref_slice %arg6[%dma_wait3A_44, %dma_wait3A_45] : memref<4x128xi32, #tpu.memory_space<vmem>> -> memref<1x128xi32, #tpu.memory_space<vmem>>
    %dma_wait3A_47 = tpu.memref_squeeze %dma_wait3A_46 : memref<1x128xi32, #tpu.memory_space<vmem>> -> memref<128xi32, #tpu.memory_space<vmem>>
    %dma_wait3A_48 = arith.constant 0 : i32
    %dma_wait3A_49 = arith.constant 0 : i32
    %dma_wait3A_50 = tpu.memref_slice %arg2[%dma_wait3A_48, %dma_wait3A_49] : memref<600x128xf32, #tpu.memory_space<hbm>> -> memref<600x128xf32, #tpu.memory_space<hbm>>
    tpu.wait_indirect_dma semaphore(%arg10 : memref<!tpu.dma_semaphore, #tpu.memory_space<semaphore_mem>>) src(%dma_wait3A_50 : memref<600x128xf32, #tpu.memory_space<hbm>>) dst(%arg8 : memref<128x128xf32, #tpu.memory_space<vmem>>)
    %add3A_51 = arith.constant 128 : i32
    %add3A_52 = arith.addi %mul3A_2, %add3A_51 : i32
    %dma_start3A_53 = arith.constant 0 : i32
    %dma_start3A_54 = tpu.memref_slice %arg4[%add3A_52, %dma_start3A_53] : memref<16384x128xf32, #tpu.memory_space<hbm>> -> memref<128x128xf32, #tpu.memory_space<hbm>>
    %dma_start3A_55 = arith.constant 0 : i32
    %dma_start3A_56 = tpu.memref_slice %arg4[%add3A_52, %dma_start3A_55] : memref<16384x128xf32, #tpu.memory_space<hbm>> -> memref<128x128xf32, #tpu.memory_space<hbm>>
    tpu.enqueue_dma source(%arg8 : memref<128x128xf32, #tpu.memory_space<vmem>>) target(%dma_start3A_56 : memref<128x128xf32, #tpu.memory_space<hbm>>) target_semaphore(%arg12 : memref<!tpu.dma_semaphore, #tpu.memory_space<semaphore_mem>>)
    %dma_wait3A_57 = arith.constant 0 : i32
    %dma_wait3A_58 = tpu.memref_slice %arg4[%add3A_52, %dma_wait3A_57] : memref<16384x128xf32, #tpu.memory_space<hbm>> -> memref<128x128xf32, #tpu.memory_space<hbm>>
    %dma_wait3A_59 = arith.constant 0 : i32
    %dma_wait3A_60 = tpu.memref_slice %arg4[%add3A_52, %dma_wait3A_59] : memref<16384x128xf32, #tpu.memory_space<hbm>> -> memref<128x128xf32, #tpu.memory_space<hbm>>
    tpu.wait_dma2 semaphore(%arg12 : memref<!tpu.dma_semaphore, #tpu.memory_space<semaphore_mem>>) src(%arg8 : memref<128x128xf32, #tpu.memory_space<vmem>>) dst(%dma_wait3A_60 : memref<128x128xf32, #tpu.memory_space<hbm>>)
    %dma_start3A_61 = arith.constant 3 : i32
    %dma_start3A_62 = arith.constant 0 : i32
    %dma_start3A_63 = tpu.memref_slice %arg6[%dma_start3A_61, %dma_start3A_62] : memref<4x128xi32, #tpu.memory_space<vmem>> -> memref<1x128xi32, #tpu.memory_space<vmem>>
    %dma_start3A_64 = tpu.memref_squeeze %dma_start3A_63 : memref<1x128xi32, #tpu.memory_space<vmem>> -> memref<128xi32, #tpu.memory_space<vmem>>
    %dma_start3A_65 = arith.constant 0 : i32
    %dma_start3A_66 = arith.constant 0 : i32
    %dma_start3A_67 = tpu.memref_slice %arg2[%dma_start3A_65, %dma_start3A_66] : memref<600x128xf32, #tpu.memory_space<hbm>> -> memref<600x128xf32, #tpu.memory_space<hbm>>
    tpu.enqueue_indirect_dma source(%dma_start3A_67 : memref<600x128xf32, #tpu.memory_space<hbm>>) target(%arg8 : memref<128x128xf32, #tpu.memory_space<vmem>>) offsets(%dma_start3A_64 : memref<128xi32, #tpu.memory_space<vmem>>) semaphore(%arg10 : memref<!tpu.dma_semaphore, #tpu.memory_space<semaphore_mem>>)
    %dma_wait3A_68 = arith.constant 2 : i32
    %dma_wait3A_69 = arith.constant 0 : i32
    %dma_wait3A_70 = tpu.memref_slice %arg6[%dma_wait3A_68, %dma_wait3A_69] : memref<4x128xi32, #tpu.memory_space<vmem>> -> memref<1x128xi32, #tpu.memory_space<vmem>>
    %dma_wait3A_71 = tpu.memref_squeeze %dma_wait3A_70 : memref<1x128xi32, #tpu.memory_space<vmem>> -> memref<128xi32, #tpu.memory_space<vmem>>
    %dma_wait3A_72 = arith.constant 0 : i32
    %dma_wait3A_73 = arith.constant 0 : i32
    %dma_wait3A_74 = tpu.memref_slice %arg2[%dma_wait3A_72, %dma_wait3A_73] : memref<600x128xf32, #tpu.memory_space<hbm>> -> memref<600x128xf32, #tpu.memory_space<hbm>>
    tpu.wait_indirect_dma semaphore(%arg9 : memref<!tpu.dma_semaphore, #tpu.memory_space<semaphore_mem>>) src(%dma_wait3A_74 : memref<600x128xf32, #tpu.memory_space<hbm>>) dst(%arg7 : memref<128x128xf32, #tpu.memory_space<vmem>>)
    %add3A_75 = arith.constant 256 : i32
    %add3A_76 = arith.addi %mul3A_2, %add3A_75 : i32
    %dma_start3A_77 = arith.constant 0 : i32
    %dma_start3A_78 = tpu.memref_slice %arg4[%add3A_76, %dma_start3A_77] : memref<16384x128xf32, #tpu.memory_space<hbm>> -> memref<128x128xf32, #tpu.memory_space<hbm>>
    %dma_start3A_79 = arith.constant 0 : i32
    %dma_start3A_80 = tpu.memref_slice %arg4[%add3A_76, %dma_start3A_79] : memref<16384x128xf32, #tpu.memory_space<hbm>> -> memref<128x128xf32, #tpu.memory_space<hbm>>
    tpu.enqueue_dma source(%arg7 : memref<128x128xf32, #tpu.memory_space<vmem>>) target(%dma_start3A_80 : memref<128x128xf32, #tpu.memory_space<hbm>>) target_semaphore(%arg11 : memref<!tpu.dma_semaphore, #tpu.memory_space<semaphore_mem>>)
    %dma_wait3A_81 = arith.constant 3 : i32
    %dma_wait3A_82 = arith.constant 0 : i32
    %dma_wait3A_83 = tpu.memref_slice %arg6[%dma_wait3A_81, %dma_wait3A_82] : memref<4x128xi32, #tpu.memory_space<vmem>> -> memref<1x128xi32, #tpu.memory_space<vmem>>
    %dma_wait3A_84 = tpu.memref_squeeze %dma_wait3A_83 : memref<1x128xi32, #tpu.memory_space<vmem>> -> memref<128xi32, #tpu.memory_space<vmem>>
    %dma_wait3A_85 = arith.constant 0 : i32
    %dma_wait3A_86 = arith.constant 0 : i32
    %dma_wait3A_87 = tpu.memref_slice %arg2[%dma_wait3A_85, %dma_wait3A_86] : memref<600x128xf32, #tpu.memory_space<hbm>> -> memref<600x128xf32, #tpu.memory_space<hbm>>
    tpu.wait_indirect_dma semaphore(%arg10 : memref<!tpu.dma_semaphore, #tpu.memory_space<semaphore_mem>>) src(%dma_wait3A_87 : memref<600x128xf32, #tpu.memory_space<hbm>>) dst(%arg8 : memref<128x128xf32, #tpu.memory_space<vmem>>)
    %add3A_88 = arith.constant 384 : i32
    %add3A_89 = arith.addi %mul3A_2, %add3A_88 : i32
    %dma_start3A_90 = arith.constant 0 : i32
    %dma_start3A_91 = tpu.memref_slice %arg4[%add3A_89, %dma_start3A_90] : memref<16384x128xf32, #tpu.memory_space<hbm>> -> memref<128x128xf32, #tpu.memory_space<hbm>>
    %dma_start3A_92 = arith.constant 0 : i32
    %dma_start3A_93 = tpu.memref_slice %arg4[%add3A_89, %dma_start3A_92] : memref<16384x128xf32, #tpu.memory_space<hbm>> -> memref<128x128xf32, #tpu.memory_space<hbm>>
    tpu.enqueue_dma source(%arg8 : memref<128x128xf32, #tpu.memory_space<vmem>>) target(%dma_start3A_93 : memref<128x128xf32, #tpu.memory_space<hbm>>) target_semaphore(%arg12 : memref<!tpu.dma_semaphore, #tpu.memory_space<semaphore_mem>>)
    %dma_wait3A_94 = arith.constant 0 : i32
    %dma_wait3A_95 = tpu.memref_slice %arg4[%add3A_76, %dma_wait3A_94] : memref<16384x128xf32, #tpu.memory_space<hbm>> -> memref<128x128xf32, #tpu.memory_space<hbm>>
    %dma_wait3A_96 = arith.constant 0 : i32
    %dma_wait3A_97 = tpu.memref_slice %arg4[%add3A_76, %dma_wait3A_96] : memref<16384x128xf32, #tpu.memory_space<hbm>> -> memref<128x128xf32, #tpu.memory_space<hbm>>
    tpu.wait_dma2 semaphore(%arg11 : memref<!tpu.dma_semaphore, #tpu.memory_space<semaphore_mem>>) src(%arg7 : memref<128x128xf32, #tpu.memory_space<vmem>>) dst(%dma_wait3A_97 : memref<128x128xf32, #tpu.memory_space<hbm>>)
    %dma_wait3A_98 = arith.constant 0 : i32
    %dma_wait3A_99 = tpu.memref_slice %arg4[%add3A_89, %dma_wait3A_98] : memref<16384x128xf32, #tpu.memory_space<hbm>> -> memref<128x128xf32, #tpu.memory_space<hbm>>
    %dma_wait3A_100 = arith.constant 0 : i32
    %dma_wait3A_101 = tpu.memref_slice %arg4[%add3A_89, %dma_wait3A_100] : memref<16384x128xf32, #tpu.memory_space<hbm>> -> memref<128x128xf32, #tpu.memory_space<hbm>>
    tpu.wait_dma2 semaphore(%arg12 : memref<!tpu.dma_semaphore, #tpu.memory_space<semaphore_mem>>) src(%arg8 : memref<128x128xf32, #tpu.memory_space<vmem>>) dst(%dma_wait3A_101 : memref<128x128xf32, #tpu.memory_space<hbm>>)
    return
  }
}

module attributes {stable_mosaic.version = 14 : i64} {
  func.func @_tc_body(%arg0: i32, %arg1: i32, %arg2: i32, %arg3: memref<1x1x1024xi32, #tpu.memory_space<vmem>>, %arg4: memref<1x1x2048xi32, #tpu.memory_space<vmem>>, %arg5: memref<1x50x50xf32, #tpu.memory_space<vmem>>, %arg6: memref<1x1x2048x128xf32, #tpu.memory_space<vmem>>, %arg7: memref<1x1x1024x2048xf32, #tpu.memory_space<vmem>>) attributes {dimension_semantics = [#tpu.dimension_semantics<arbitrary>, #tpu.dimension_semantics<arbitrary>, #tpu.dimension_semantics<arbitrary>], iteration_bounds = array<i64: 2, 12, 2>, scalar_prefetch = 0 : i64, scratch_operands = 0 : i64, tpu.core_type = #tpu.core_type<tc>, window_params = [{transform_indices = @transform_0, window_bounds = array<i64: 1, 1, 1024>}, {transform_indices = @transform_1, window_bounds = array<i64: 1, 1, 2048>}, {transform_indices = @transform_2, window_bounds = array<i64: 1, 50, 50>}, {transform_indices = @transform_3, window_bounds = array<i64: 1, 1, 2048, 128>}, {transform_indices = @transform_4, window_bounds = array<i64: 1, 1, 1024, 2048>}]} {
    %get3A = arith.constant 0 : index
    %get3A_0 = arith.constant 0 : index
    %get3A_1 = arith.constant 0 : index
    %get3A_2 = vector.load %arg3[%get3A, %get3A_0, %get3A_1] : memref<1x1x1024xi32, #tpu.memory_space<vmem>>, vector<1x1x1024xi32>
    %get3A_3 = vector.shape_cast %get3A_2 : vector<1x1x1024xi32> to vector<1x1024xi32>
    %lt3A = arith.constant 8 : i32
    %lt3A_4 = arith.cmpi slt, %arg1, %lt3A : i32
    %convert_element_type3A = arith.extui %lt3A_4 : i1 to i32
    %cond3A = arith.constant 0 : i32
    %cond3A_5 = arith.cmpi ne, %convert_element_type3A, %cond3A : i32
    scf.if %cond3A_5 {
      %get3A_10 = arith.constant 0 : index
      %get3A_11 = arith.constant 0 : index
      %get3A_12 = arith.constant 0 : index
      %get3A_13 = vector.load %arg4[%get3A_10, %get3A_11, %get3A_12] : memref<1x1x2048xi32, #tpu.memory_space<vmem>>, vector<1x1x2048xi32>
      %get3A_14 = vector.shape_cast %get3A_13 : vector<1x1x2048xi32> to vector<1x2048xi32>
      %get3A_15 = arith.constant 0 : index
      %get3A_16 = arith.constant 0 : index
      %get3A_17 = arith.constant 0 : index
      %get3A_18 = vector.load %arg5[%get3A_15, %get3A_16, %get3A_17] : memref<1x50x50xf32, #tpu.memory_space<vmem>>, vector<1x50x50xf32>
      %get3A_19 = vector.shape_cast %get3A_18 : vector<1x50x50xf32> to vector<50x50xf32>
      %iota3A = tpu.iota {dimensions = array<i32: 0>} : vector<50x2048xi32>
      %eq3A = vector.broadcast %get3A_14 : vector<1x2048xi32> to vector<50x2048xi32>
      %eq3A_20 = arith.cmpi eq, %eq3A, %iota3A : vector<50x2048xi32>
      %convert_element_type3A_21 = arith.extui %eq3A_20 : vector<50x2048xi1> to vector<50x2048xi32>
      %convert_element_type3A_22 = arith.sitofp %convert_element_type3A_21 : vector<50x2048xi32> to vector<50x2048xf32>
      %dot_general3A = arith.constant dense<0.000000e+00> : vector<50x2048xf32>
      %dot_general3A_23 = tpu.matmul %get3A_19, %convert_element_type3A_22, %dot_general3A {dimension_numbers = #tpu.dot_dimension_numbers<[1], [0], [0], [1], [0, 0, 1, 1], [], []>, transpose_lhs_hint = false} : vector<50x50xf32>, vector<50x2048xf32>, vector<50x2048xf32> -> vector<50x2048xf32>
      %iota3A_24 = tpu.iota {dimensions = array<i32: 0>} : vector<50x1024xi32>
      %eq3A_25 = vector.broadcast %get3A_3 : vector<1x1024xi32> to vector<50x1024xi32>
      %eq3A_26 = arith.cmpi eq, %eq3A_25, %iota3A_24 : vector<50x1024xi32>
      %convert_element_type3A_27 = arith.extui %eq3A_26 : vector<50x1024xi1> to vector<50x1024xi32>
      %convert_element_type3A_28 = arith.sitofp %convert_element_type3A_27 : vector<50x1024xi32> to vector<50x1024xf32>
      %dot_general3A_29 = arith.constant dense<0.000000e+00> : vector<1024x2048xf32>
      %dot_general3A_30 = tpu.matmul %convert_element_type3A_28, %dot_general3A_23, %dot_general3A_29 {dimension_numbers = #tpu.dot_dimension_numbers<[0], [0], [1], [1], [0, 1, 1, 1], [], []>, transpose_lhs_hint = false} : vector<50x1024xf32>, vector<50x2048xf32>, vector<1024x2048xf32> -> vector<1024x2048xf32>
      %swap3A = arith.constant 0 : index
      %swap3A_31 = arith.constant 0 : index
      %swap3A_32 = arith.constant 0 : index
      %swap3A_33 = arith.constant 0 : index
      %swap3A_34 = vector.load %arg7[%swap3A, %swap3A_31, %swap3A_32, %swap3A_33] : memref<1x1x1024x2048xf32, #tpu.memory_space<vmem>>, vector<1x1x1024x2048xf32>
      %swap3A_35 = vector.shape_cast %swap3A_34 : vector<1x1x1024x2048xf32> to vector<1024x2048xf32>
      %swap3A_36 = vector.shape_cast %dot_general3A_30 : vector<1024x2048xf32> to vector<1x1x1024x2048xf32>
      tpu.vector_store %arg7[%swap3A, %swap3A_31, %swap3A_32, %swap3A_33], %swap3A_36 {strides = array<i32>} : memref<1x1x1024x2048xf32, #tpu.memory_space<vmem>>, vector<1x1x1024x2048xf32>,
    } else {
    }
    %ge3A = arith.constant 8 : i32
    %ge3A_6 = arith.cmpi sge, %arg1, %ge3A : i32
    %convert_element_type3A_7 = arith.extui %ge3A_6 : i1 to i32
    %cond3A_8 = arith.constant 0 : i32
    %cond3A_9 = arith.cmpi ne, %convert_element_type3A_7, %cond3A_8 : i32
    scf.if %cond3A_9 {
      %get3A_10 = arith.constant 0 : index
      %get3A_11 = arith.constant 0 : index
      %get3A_12 = arith.constant 0 : index
      %get3A_13 = arith.constant 0 : index
      %get3A_14 = vector.load %arg6[%get3A_10, %get3A_11, %get3A_12, %get3A_13] : memref<1x1x2048x128xf32, #tpu.memory_space<vmem>>, vector<1x1x2048x128xf32>
      %get3A_15 = vector.shape_cast %get3A_14 : vector<1x1x2048x128xf32> to vector<2048x128xf32>
      %iota3A = tpu.iota {dimensions = array<i32: 0>} : vector<128x1024xi32>
      %eq3A = vector.broadcast %get3A_3 : vector<1x1024xi32> to vector<128x1024xi32>
      %eq3A_16 = arith.cmpi eq, %eq3A, %iota3A : vector<128x1024xi32>
      %convert_element_type3A_17 = arith.extui %eq3A_16 : vector<128x1024xi1> to vector<128x1024xi32>
      %convert_element_type3A_18 = arith.sitofp %convert_element_type3A_17 : vector<128x1024xi32> to vector<128x1024xf32>
      %dot_general3A = arith.constant dense<0.000000e+00> : vector<1024x2048xf32>
      %dot_general3A_19 = tpu.matmul %convert_element_type3A_18, %get3A_15, %dot_general3A {dimension_numbers = #tpu.dot_dimension_numbers<[0], [1], [1], [0], [0, 1, 1, 0], [], []>, transpose_lhs_hint = false} : vector<128x1024xf32>, vector<2048x128xf32>, vector<1024x2048xf32> -> vector<1024x2048xf32>
      %swap3A = arith.constant 0 : index
      %swap3A_20 = arith.constant 0 : index
      %swap3A_21 = arith.constant 0 : index
      %swap3A_22 = arith.constant 0 : index
      %swap3A_23 = vector.load %arg7[%swap3A, %swap3A_20, %swap3A_21, %swap3A_22] : memref<1x1x1024x2048xf32, #tpu.memory_space<vmem>>, vector<1x1x1024x2048xf32>
      %swap3A_24 = vector.shape_cast %swap3A_23 : vector<1x1x1024x2048xf32> to vector<1024x2048xf32>
      %swap3A_25 = vector.shape_cast %dot_general3A_19 : vector<1024x2048xf32> to vector<1x1x1024x2048xf32>
      tpu.vector_store %arg7[%swap3A, %swap3A_20, %swap3A_21, %swap3A_22], %swap3A_25 {strides = array<i32>} : memref<1x1x1024x2048xf32, #tpu.memory_space<vmem>>, vector<1x1x1024x2048xf32>,
    } else {
    }
    return
  }
  func.func @transform_0(%arg0: i32, %arg1: i32, %arg2: i32) -> (i32, i32, i32) {
    %c0_i32 = arith.constant 0 : i32
    %c0_i32_0 = arith.constant 0 : i32
    return %arg0, %c0_i32, %arg2 : i32, i32, i32
  }
  func.func @transform_1(%arg0: i32, %arg1: i32, %arg2: i32) -> (i32, i32, i32) {
    %c0_i32 = arith.constant 0 : i32
    %c0_i32_0 = arith.constant 0 : i32
    %c0_i32_1 = arith.constant 0 : i32
    return %arg0, %c0_i32, %c0_i32_0 : i32, i32, i32
  }
  func.func @transform_2(%arg0: i32, %arg1: i32, %arg2: i32) -> (i32, i32, i32) {
    %min3A = arith.constant 7 : i32
    %min3A_0 = arith.minsi %arg1, %min3A : i32
    %c0_i32 = arith.constant 0 : i32
    %c0_i32_1 = arith.constant 0 : i32
    %c0_i32_2 = arith.constant 0 : i32
    return %min3A_0, %c0_i32, %c0_i32_1 : i32, i32, i32
  }
  func.func @transform_3(%arg0: i32, %arg1: i32, %arg2: i32) -> (i32, i32, i32, i32) {
    %sub3A = arith.constant 8 : i32
    %sub3A_0 = arith.subi %arg1, %sub3A : i32
    %max3A = arith.constant 0 : i32
    %max3A_1 = arith.maxsi %sub3A_0, %max3A : i32
    %c0_i32 = arith.constant 0 : i32
    %c0_i32_2 = arith.constant 0 : i32
    %c0_i32_3 = arith.constant 0 : i32
    return %arg0, %max3A_1, %c0_i32, %c0_i32_2 : i32, i32, i32, i32
  }
  func.func @transform_4(%arg0: i32, %arg1: i32, %arg2: i32) -> (i32, i32, i32, i32) {
    %c0_i32 = arith.constant 0 : i32
    %c0_i32_0 = arith.constant 0 : i32
    return %arg0, %arg1, %arg2, %c0_i32 : i32, i32, i32, i32
  }
}

</mosaic_0001>

<sc_bundles>
// kernel: kernel.4.cloned.1.call-start
scs
__scs_entry_jumppad:
0x0: {  	(pc) =	sbr.rel $0x88, $3  }
0x1: {  	(tag) =	ssettag $0x0;
	lr =	simm.s32 $0x1  }
0x2: {  	[smem:$0x3F9F] =	sst lr;
	_ =	strace $0xD0000000  }
0x3: {  	_ = 	snop  }
0x4: {  	_ = 	snop  }
0x5: {  	_ = 	snop  }
0x6: {  	_ = 	snop  }
0x7: {  	_ = 	snop  }
__scs_overlays_trampoline_lowered:
0x8: {  	[smem:$0x3FAE] =	sst s0  }
0x9: {  	[smem:$0x3FAF] =	sst s1  }
0xa: {  	[smem:$0x3FB0] =	sst s2  }
0xb: {  	[smem:$0x3FB1] =	sst s3  }
0xc: {  	[smem:$0x3FB2] =	sst s4  }
0xd: {  	[smem:$0x3FB3] =	sst s5  }
0xe: {  	[smem:$0x3FB4] =	sst s6  }
0xf: {  	[smem:$0x3FB5] =	sst s7  }
0x10: {  	[smem:$0x3FB6] =	sst s8  }
0x11: {  	[smem:$0x3FB7] =	sst s9;
	s0 =	simm.s32 @!p0 $0x0  }
0x12: {  	s1 =	sld [smem:$0x3F9D];
	s0 =	simm.s32 @p0 $0x1  }
0x13: {  	[smem:$0x3FB8] =	sst s0;
	s0 =	simm.s32 @!p1 $0x0  }
0x14: {  	s2 =	sld [smem:$0x3F9C];
	s0 =	simm.s32 @p1 $0x1  }
0x15: {  	[smem:$0x3FB9] =	sst s0;
	s0 =	simm.s32 @!p2 $0x0  }
0x16: {  	s3 =	sld [smem:$0x3FDB];
	s0 =	simm.s32 @p2 $0x1  }
0x17: {  	s4 =	simm.s32 $0x1BF5;
	[smem:$0x3FBB] =	sst s0  }
0x18: {  	s0 =	sld [smem:$0x3F9E];
	_ =	swait.ge [sflag:s4], $0x0  }
0x19: {  	s7 =	sld [smem:$0x3F9F]  }
0x1a: {  	s8 =	sadd.s32 $0xFFFFE003, lr  }
0x1b: {  	s9 =	sadd.s32 $0xFFFFFEF7, lr;
	s5 =	simm.s32 $0xFFFFFFFF;
	p2 =	slt.u32 s8, $0xFFFFF086  }
0x1c: {  	p1 =	slt.u32 s9, $0xF7A;
	s5 =	simm.s32 @!p2 $0x0  }
0x1d: {  	s5 =	simm.s32 @p1 $0x1;
	p0 =	seq.s32 s7, s2  }
0x1e: {  	s7 =	smul.u32 @!p0 $0xF7A, s2;
	p2 =	seq.s32 @!p0 s5, $0x0  }
0x1f: {  	s9 =	smul.u32 $0xF7A, s1;
	s8 =	simm.s32 @!p0 $0x1BF5;
	p2 =	por !p2, p0  }
0x20: {  	[sflag:s8] =	ssyncset.s32 @!p0 $0xFFFFF086;
	s6 =	sadd.s32 @!p0 s3, s7;
	s7 =	simm.s32 @!p0 $0x108  }
0x21: {  	s3 =	sadd.s32 s3, s9;
	s6 =	sadd.s32 @!p0 $0x88, s6;
	s7 =	simm.s32 @p2 $0x1082  }
0x22: {  	[simem:s7], [sflag:s8] =	dma.local @!p0 [hbm:s6], $0xF7A  }
0x23: {  	s9 =	sor.u32 $0xD0000000, s2;
	s6 =	simm.s32 $0x108;
	_ =	swait.ge @!p0 [sflag:s8], $0x0  }
0x24: {  	s3 =	sadd.s32 $0x88, s3;
	s6 =	simm.s32 @!p1 $0x1082;
	[sflag:s4] =	ssyncset.s32 $0xFFFFF086  }
0x25: {  	[simem:s6], [sflag:s4] =	dma.local [hbm:s3], $0xF7A  }
0x26: {  	[smem:$0x3F9F] =	sst s1;
	(tag) =	ssettag s2;
	_ =	strace s9  }
0x27: {  	s1 =	sld [smem:$0x3FAF]  }
0x28: {  	s2 =	sld [smem:$0x3FB0]  }
0x29: {  	s4 =	sld [smem:$0x3FB2]  }
0x2a: {  	p0 =	seq.s32 s5, $0x0;
	s5 =	sld [smem:$0x3FB3]  }
0x2b: {  	s6 =	sld [smem:$0x3FB4]  }
0x2c: {  	s7 =	sld [smem:$0x3FB5]  }
0x2d: {  	s3 =	simm.s32 $0x108;
	s8 =	sld [smem:$0x3FB6]  }
0x2e: {  	s3 =	simm.s32 @!p0 $0x1082;
	s9 =	sld [smem:$0x3FB7]  }
0x2f: {  	lr =	sadd.s32 s0, s3;
	s0 =	sld [smem:$0x3FAE]  }
0x30: {  	s3 =	sld [smem:$0x3FB1]  }
0x31: {  	[smem:$0x3FBA] =	sst s10  }
0x32: {  	s10 =	sld [smem:$0x3FB8];
	_ =	sdelay $0x3  }
0x33: {  	p0 =	seq.s32 s10, $0x1;
	s10 =	sld [smem:$0x3FBA];
	_ =	sdelay $0x3  }
0x34: {  	[smem:$0x3FBA] =	sst s10  }
0x35: {  	s10 =	sld [smem:$0x3FB9];
	_ =	sdelay $0x3  }
0x36: {  	p1 =	seq.s32 s10, $0x1;
	s10 =	sld [smem:$0x3FBA];
	_ =	sdelay $0x3  }
0x37: {  	[smem:$0x3FBA] =	sst s10  }
0x38: {  	s10 =	sld [smem:$0x3FBB]  }
0x39: {  	_ = 	snop;
	(pc) =	sbr.ind lr, $3  }
0x3a: {  	_ = 	snop  }
0x3b: {  	_ = 	snop  }
0x3c: {  	p2 =	seq.s32 s10, $0x1;
	s10 =	sld [smem:$0x3FBA]  }
0x3d: {  	_ =	shalt  }
0x3e: {  	_ =	shalt  }
0x3f: {  	_ =	shalt  }
0x40: {  	_ =	shalt  }
0x41: {  	_ =	shalt  }
0x42: {  	_ =	shalt  }
0x43: {  	_ =	shalt  }
0x44: {  	_ =	shalt  }
0x45: {  	_ =	shalt  }
0x46: {  	_ =	shalt  }
0x47: {  	_ =	shalt  }
0x48: {  	_ =	shalt  }
0x49: {  	_ =	shalt  }
0x4a: {  	_ =	shalt  }
0x4b: {  	_ =	shalt  }
0x4c: {  	_ =	shalt  }
0x4d: {  	_ =	shalt  }
0x4e: {  	_ =	shalt  }
0x4f: {  	_ =	shalt  }
0x50: {  	_ =	shalt  }
0x51: {  	_ =	shalt  }
0x52: {  	_ =	shalt  }
0x53: {  	_ =	shalt  }
0x54: {  	_ =	shalt  }
0x55: {  	_ =	shalt  }
0x56: {  	_ =	shalt  }
0x57: {  	_ =	shalt  }
0x58: {  	_ =	shalt  }
0x59: {  	_ =	shalt  }
0x5a: {  	_ =	shalt  }
0x5b: {  	_ =	shalt  }
0x5c: {  	_ =	shalt  }
0x5d: {  	_ =	shalt  }
0x5e: {  	_ =	shalt  }
0x5f: {  	_ =	shalt  }
0x60: {  	_ =	shalt  }
0x61: {  	_ =	shalt  }
0x62: {  	_ =	shalt  }
0x63: {  	_ =	shalt  }
0x64: {  	_ =	shalt  }
0x65: {  	_ =	shalt  }
0x66: {  	_ =	shalt  }
0x67: {  	_ =	shalt  }
0x68: {  	_ =	shalt  }
0x69: {  	_ =	shalt  }
0x6a: {  	_ =	shalt  }
0x6b: {  	_ =	shalt  }
0x6c: {  	_ =	shalt  }
0x6d: {  	_ =	shalt  }
0x6e: {  	_ =	shalt  }
0x6f: {  	_ =	shalt  }
0x70: {  	_ =	shalt  }
0x71: {  	_ =	shalt  }
0x72: {  	_ =	shalt  }
0x73: {  	_ =	shalt  }
0x74: {  	_ =	shalt  }
0x75: {  	_ =	shalt  }
0x76: {  	_ =	shalt  }
0x77: {  	_ =	shalt  }
0x78: {  	_ =	shalt  }
0x79: {  	_ =	shalt  }
0x7a: {  	_ =	shalt  }
0x7b: {  	_ =	shalt  }
0x7c: {  	_ =	shalt  }
0x7d: {  	_ =	shalt  }
0x7e: {  	_ =	shalt  }
0x7f: {  	_ =	shalt  }
0x80: {  	_ =	shalt  }
0x81: {  	_ =	shalt  }
0x82: {  	_ =	shalt  }
0x83: {  	_ =	shalt  }
0x84: {  	_ =	shalt  }
0x85: {  	_ =	shalt  }
0x86: {  	_ =	shalt  }
0x87: {  	_ =	shalt  }
.Lfunc_end0:
.L_simem_size_0:
called_computation_lowered:
.L_overlay_start_0:
0x88: {  	s2 =	sld [smem:$0x3FD9]  }
0x89: {  	s3 =	sld [smem:$0x3FFE];
	_ =	sdelay $0x1  }
0x8a: {  	s1 =	srdreg.scid  }
0x8b: {  	s0 =	sand.u32 $0x1, s1  }
0x8c: {  	s17 =	sshll.u32 s0, $0xA;
	s2 =	sadd.s32 s3, s2  }
0x8d: {  	s2 =	sadd.s32 s2, s17  }
0x8e: {  	[smem:$0x3FC6] =	sst s2  }
0x8f: {  	_ = 	snop  }
0x90: {  	s2 =	sld [smem:$0x3FC9]  }
0x91: {  	s18 =	sld [smem:$0x3FD0];
	(tm) =	ssettm $0x1  }
0x92: {  	s4 =	sld [smem:$0x3FFB];
	_ =	sdelay $0x3  }
0x93: {  	_ =	strace s4  }
0x94: {  	s4 =	sld [smem:$0x3FFC];
	_ =	sdelay $0x3  }
0x95: {  	_ =	strace s4  }
0x96: {  	s4 =	sld [smem:$0x3FFD];
	_ =	sdelay $0x3  }
0x97: {  	_ =	strace s4  }
0x98: {  	_ =	strace $0x8FFFFFFF  }
0x99: {  	s19 =	sld [smem:$0x3FDB];
	_ =	sdelay $0x1  }
0x9a: {  	s5 =	simm.s32 $_scs_section_size  }
0x9b: {  	s6 =	simm.s32 $_size__tile_overlayer_lowered;
	s7 =	simm.s32 $_tile_overlayer_lowered  }
0x9c: {  	s22 =	simm.s32 $0x1BFF;
	s21 =	sshll.u32 s7, $0x1;
	s4 =	sadd.s32 s5, s19  }
0x9d: {  	s8 =	simm.s32 $0x0;
	s20 =	sshll.u32 s6, $0x1;
	s6 =	sadd.s32 s21, s4  }
0x9e: {  	[timem:s8], [sflag:s22] =	dma.local [hbm:s6], s20  }
0x9f: {  	_ =	swait.ge [sflag:s22], s20  }
0xa0: {  	s5 =	ssub.s32 $0x0, s20;
	[sflag:s22] =	ssyncset.done $0x0  }
0xa1: {  	[sflag:s22] =	ssyncadd.s32 s5;
	_ =	sdelay $0x1  }
0xa2: {  	s23 =	simm.s32 $0x1B8B  }
0xa3: {  	_ =	swait.ge [sflag:s23], $0x1  }
0xa4: {  	[sflag:s23] =	ssyncset.done $0x0  }
0xa5: {  	s25 =	simm.s32 $0x1B8E;
	s24 =	sld [smem:$0x3FFE];
	[sflag:s23] =	ssyncadd.s32 $0xFFFFFFFF  }
0xa6: {  	s26 =	simm.s32 $execute0_lowered;
	[smem:$0x3FD2] =	sst s25  }
0xa7: {  	s6 =	sshll.u32 s26, $0x1;
	_ =	strace $0x80000046;
	[dreg:$0x1] =	wrdreg $0xFFFFFFFF  }
0xa8: {  	s28 =	simm.s32 $_size_execute0_lowered;
	s4 =	sadd.s32 s4, s6;
	[dreg:$0x0] =	wrdreg $0x0  }
0xa9: {  	s6 =	sshll.u32 s28, $0x1;
	[dreg:$0x2] =	wrdreg s4  }
0xaa: {  	[dreg:$0x3] =	wrdreg s6  }
0xab: {  	[dreg:$0x4] =	wrdreg $0xC0  }
0xac: {  	_ =	task [dreg:s8], $0x5FFFF  }
0xad: {  	[dreg:$0x1] =	wrdreg $0xFFFFFFFF  }
0xae: {  	[dreg:$0x0] =	wrdreg $0x60  }
0xaf: {  	[dreg:$0x2] =	wrdreg s24  }
0xb0: {  	[dreg:$0x3] =	wrdreg s2  }
0xb1: {  	[dreg:$0x4] =	wrdreg s18  }
0xb2: {  	[dreg:$0x5] =	wrdreg $0x9  }
0xb3: {  	_ =	task.clear_ibuf [dreg:s8], $0x6FFFF;
	_ =	strace $0x90000046  }
0xb4: {  	s29 =	simm.s32 $0x9;
	_ =	strace $0x80000048  }
0xb5: {  	_ =	swait.ge [sflag:s29], $0x1  }
0xb6: {  	[sflag:s29] =	ssyncadd.s32 $0xFFFFFFFF  }
0xb7: {  	_ =	strace $0x90000048  }
0xb8: {  	_ =	sfence  }
0xb9: {  	s30 =	sld [smem:$0x0];
	_ =	sdelay $0x2  }
0xba: {  	s31 =	sshll.u32 s1, $0xD;
	s1 =	sshrl.u32 s1, $0x2  }
0xbb: {  	s3 =	sand.u32 $0x4000, s31;
	s1 =	sadd.s32 s1, s30  }
0xbc: {  	s0 =	sor.u32 s3, s0;
	s1 =	sshll.u32 s1, $0x11  }
0xbd: {  	s0 =	sor.u32 s1, s0  }
0xbe: {  	s0 =	sadd.s32 $0x8F2B, s0  }
0xbf: {  	[sflag:s0] =	ssyncadd.remote.s32 $0x1  }
0xc0: {  	_ =	sfence.sel $0xFFFF  }
0xc1: {  	[dreg:$0x0] =	wrdreg $0xFFFFFFFF;
	(pc) =	sbr.abs _section_cstart, $3  }
0xc2: {  	[dreg:$0x1] =	wrdreg $0xFFFFFFFF  }
0xc3: {  	_ =	task.clear_ibuf [dreg:s8], $0x2FFFF;
	_ =	strace $0x9FFFFFFF  }
0xc4: {  	(tm) =	ssettm $0x7FFFFFFF  }
0xc5: {  	_ =	shalt  }
tec
execute0_lowered:
.L_overlay_start_1:
0x0: {  	(tag) =	ssettag $0x1  }
0x1: {  	s0 =	rddreg [dreg:$0x0]  }
0x2: {  	s2 =	rddreg [dreg:$0x1]  }
0x3: {  	s6 =	rddreg [dreg:$0x2]  }
0x4: {  	s3 =	srdreg.scid;
	s1 =	stileid.u32  }
0x5: {  	s11 =	simm.s32 $0x5;
	s12 =	simm.s32 $0x80;
	s13 =	simm.s32 $0x1000  }
0x6: {  	s14 =	simm.s32 $0x1200;
	s15 =	simm.s32 $0x1080;
	s16 =	simm.s32 $0x5200  }
0x7: {  	s17 =	simm.s32 $0x1;
	s18 =	simm.s32 $0x3;
	s19 =	simm.s32 $0x1100  }
0x8: {  	s20 =	simm.s32 $0x2;
	s21 =	simm.s32 $0x4;
	s22 =	simm.s32 $0x1180  }
0x9: {  	s23 =	simm.s32 $0x0;
	s5 =	sand.u32 $0x1, s3;
	s3 =	simm.s32 $0x0  }
0xa: {  	s4 =	sshll.u32 s1, $0xA;
	s7 =	sshll.u32 s5, $0x9;
	s30 =	ssub.s32 $0x2, s5  }
0xb: {  	[smem:$0x7FF] =	sst s3;
	s4 =	sor.u32 s7, s4;
	s31 =	sshrl.u32 s30, $0x1  }
0xc: {  	s5 =	sadd.s32 $0x600, s0;
	s8 =	sshll.u32 s4, $0x4;
	s0 =	ssub.s32 s30, s31  }
0xd: {  	_ =	strace $0x80000047;
	s6 =	sadd.s32 s6, s8;
	s10 =	smax.u32 s0, $0x1  }
0xe: {  	v0 =	vlaneseq.u32;
	v1 =	vimm.s32 $0x0;
	s7 =	sadd.s32 $0x800, s6;
	s8 =	sadd.s32 $0x1000, s6;
	s9 =	sadd.s32 $0x1800, s6  }
.LBB2_1:
0xf: {  	[tilespmem:s3], [sflag:$0x5] =	stream.linear.gather [hbm4b:s2+s3], $0x1000, $0x38;
	[tilespmem:$0x9200] =	vst v63  }
0x10: {  	_ =	swait.ge [sflag:s11], $0x1000  }
0x11: {  	s24 =	smov.u32 s4;
	[sflag:s11] =	ssyncset.done $0x0  }
0x12: {  	s25 =	simm.s32 $0x1000;
	s26 =	simm.s32 $0x0;
	[sflag:s11] =	ssyncadd.s32 $0xFFFFF000  }
.LBB2_2:
0x13: {  	v3 =	vor.u32 s24, v0  }
0x14: {  	v4 =	vmov s24;
	v2 =	vand.u32 $0x7FF, v3  }
0x15: {  	vm0 =	veq.s32 v4, v0;
	vm1 =	vne.s32 v2, $0x0  }
0x16: {  	vm0 =	vmand vm0, vm1  }
0x17: {  	v2 =	vshrl.u32 v4, $0xB;
	v5 =	vsel vm0, $0xFFFFFFFF, v1  }
0x18: {  	s0 =	sadd.s32 $0x10, s24;
	v8 =	vadd.s32 v5, v2  }
0x19: {  	v6 =	vmov s0;
	v10 =	vor.u32 s0, v0;
	v5 =	vand.u32 $0x3, v8  }
0x1a: {  	v7 =	vshrl.u32 v8, $0x1E;
	vm0 =	vlt.s32 v8, $0x1;
	vm1 =	vne.s32 v5, $0x0  }
0x1b: {  	v4 =	vshll.u32 v4, $0x1;
	v5 =	vadd.s32 v7, v8;
	vm0 =	vmand vm0, vm1  }
0x1c: {  	v9 =	vshll.u32 v8, $0xC;
	v5 =	vshra.s32 v5, $0x2;
	v7 =	vsel vm0, $0xFFFFFFFF, v1  }
0x1d: {  	v3 =	vand.u32 $0x7F, v3;
	v4 =	vsub.s32 v4, v9;
	v11 =	vadd.s32 v7, v5  }
0x1e: {  	v9 =	vand.u32 $0x7FF, v10;
	v4 =	vand.u32 $0xFFFFFF00, v4;
	v5 =	vshll.u32 v11, $0xB  }
0x1f: {  	vm1 =	vne.s32 v9, $0x0;
	v7 =	vshll.u32 v11, $0x7;
	v5 =	vand.u32 $0xFFFFF000, v5  }
0x20: {  	vm0 =	veq.s32 v6, v0;
	v4 =	vadd.s32 v4, v5;
	v5 =	vand.u32 $0x80, v7  }
0x21: {  	v2 =	vmov s25;
	vm0 =	vmand vm0, vm1;
	v4 =	vor.u32 v5, v4  }
0x22: {  	v7 =	vsel vm0, $0xFFFFFFFF, v1;
	v9 =	vor.u32 v3, v4;
	v3 =	vshrl.u32 v6, $0xB  }
0x23: {  	v11 =	vshll.u32 v11, $0x2;
	v3 =	vadd.s32 v7, v3;
	v7 =	vand.u32 $0x7F, v10  }
0x24: {  	v10 =	vshll.u32 v6, $0x1;
	v12 =	vand.u32 $0x3, v3;
	v6 =	vshrl.u32 v3, $0x1E  }
0x25: {  	vm1 =	vlt.s32 v3, $0x1;
	v13 =	vshll.u32 v3, $0xC;
	vm2 =	vne.s32 v12, $0x0  }
0x26: {  	v6 =	vadd.s32 v6, v3;
	v10 =	vsub.s32 v10, v13;
	vm1 =	vmand vm1, vm2  }
0x27: {  	s31 =	sadd.s32 $0x10, s0;
	v13 =	vsub.s32 v8, v11;
	v6 =	vshra.s32 v6, $0x2;
	v12 =	vsel vm1, $0xFFFFFFFF, v1;
	v8 =	vld.idx.msk [tilespmem:v9+s3+$0x0], $0xffff  }
0x28: {  	v5 =	vmov s31;
	v4 =	vor.u32 s31, v0;
	v6 =	vadd.s32 v12, v6  }
0x29: {  	s30 =	simm.s32 $0x0;
	vm0 =	veq.s32 v5, v0;
	v10 =	vand.u32 $0xFFFFFF00, v10;
	v12 =	vshll.u32 v6, $0xB  }
0x2a: {  	s29 =	simm.s32 $0x40;
	s28 =	simm.s32 $0x80;
	s0 =	simm.s32 $0xC0;
	v9 =	vmul.u32 $0x32, v13;
	v11 =	vshll.u32 v6, $0x7;
	v12 =	vand.u32 $0xFFFFF000, v12  }
.LBB2_3:
0x2b: {  	p0 =	sne.s32 s0, $0x1C0;
	v13 =	vand.u32 $0x7FF, v4;
	v10 =	vadd.s32 v10, v12;
	v11 =	vand.u32 $0x80, v11  }
0x2c: {  	vm1 =	vne.s32 v13, $0x0;
	v10 =	vor.u32 v11, v10;
	v8 =	vadd.s32 v8, v9  }
0x2d: {  	s1 =	sshra.s32 s30, $0x2;
	s30 =	smov.u32 s29;
	s29 =	smov.u32 s28;
	vm0 =	vmand vm0, vm1;
	v9 =	vor.u32 v7, v10;
	v7 =	vadd.s32 $0x190, v8  }
0x2e: {  	s31 =	sadd.s32 $0x10, s31;
	s28 =	smov.u32 s0;
	v8 =	vshrl.u32 v5, $0xB;
	v10 =	vsel vm0, $0xFFFFFFFF, v1;
	[tilespmem:v2+s1+$0x0 ss:$0x1] =	vst.idx.msk $0xffff, v7  }
0x2f: {  	v11 =	vmov s31;
	v12 =	vor.u32 s31, v0;
	v13 =	vadd.s32 v10, v8  }
0x30: {  	v7 =	vand.u32 $0x7F, v4;
	v4 =	vmovc v12;
	v10 =	vshll.u32 v5, $0x1;
	v5 =	vmovc v11;
	v8 =	vand.u32 $0x3, v13  }
0x31: {  	v11 =	vshrl.u32 v13, $0x1E;
	vm1 =	vlt.s32 v13, $0x1;
	vm2 =	vne.s32 v8, $0x0  }
.Ltmp0:
0x32: {  	vm0 =	veq.s32 v5, v0;
	v11 =	vadd.s32 v11, v13;
	vm1 =	vmand vm1, vm2;
	v8 =	vld.idx.msk [tilespmem:v9+s3+$0x0], $0xffff;
	(pc) =	sbr.rel @p0 .LBB2_3-.Ltmp0, $4  }
0x33: {  	v12 =	vshll.u32 v13, $0xC;
	v9 =	vshra.s32 v11, $0x2;
	v11 =	vsel vm1, $0xFFFFFFFF, v1  }
0x34: {  	v10 =	vsub.s32 v10, v12;
	v12 =	vshll.u32 v6, $0x2;
	v6 =	vadd.s32 v11, v9  }
0x35: {  	v10 =	vand.u32 $0xFFFFFF00, v10;
	v14 =	vsub.s32 v3, v12;
	v3 =	vmovc v13;
	v9 =	vshll.u32 v6, $0xB  }
0x36: {  	s0 =	sadd.s32 $0x40, s0;
	v11 =	vshll.u32 v6, $0x7;
	v12 =	vand.u32 $0xFFFFF000, v9;
	v9 =	vmul.u32 $0x32, v14  }
0x37: {  	v13 =	vand.u32 $0x7FF, v4  }
0x38: {  	vm1 =	vne.s32 v13, $0x0  }
0x39: {  	v10 =	vadd.s32 v10, v12;
	vm0 =	vmand vm0, vm1  }
0x3a: {  	v11 =	vand.u32 $0x80, v11;
	v52 =	vshrl.u32 v5, $0xB;
	v53 =	vsel vm0, $0xFFFFFFFF, v1  }
0x3b: {  	v10 =	vor.u32 v11, v10;
	v54 =	vadd.s32 v53, v52  }
0x3c: {  	v7 =	vor.u32 v7, v10;
	v55 =	vand.u32 $0x3, v54  }
0x3d: {  	v12 =	vshrl.u32 v54, $0x1E;
	vm14 =	vlt.s32 v54, $0x1;
	vm15 =	vne.s32 v55, $0x0  }
0x3e: {  	v58 =	vshll.u32 v5, $0x1;
	v56 =	vadd.s32 v12, v54;
	vm0 =	vmand vm14, vm15  }
0x3f: {  	v8 =	vadd.s32 v8, v9;
	v9 =	vshra.s32 v56, $0x2;
	v57 =	vsel vm0, $0xFFFFFFFF, v1  }
0x40: {  	s0 =	sshra.s32 s30, $0x2;
	v8 =	vadd.s32 $0x190, v8;
	v59 =	vshll.u32 v54, $0xC;
	v9 =	vadd.s32 v57, v9  }
0x41: {  	[tilespmem:v2+s0+$0x0 ss:$0x1] =	vst.idx.msk $0xffff, v8;
	v5 =	vsub.s32 v58, v59;
	v60 =	vshll.u32 v9, $0xB  }
0x42: {  	v7 =	vld.idx.msk [tilespmem:v7+s3+$0x0], $0xffff;
	v5 =	vand.u32 $0xFFFFFF00, v5;
	v10 =	vshll.u32 v9, $0x7;
	v8 =	vand.u32 $0xFFFFF000, v60  }
0x43: {  	v6 =	vshll.u32 v6, $0x2;
	v61 =	vand.u32 $0x80, v10;
	v5 =	vadd.s32 v5, v8  }
0x44: {  	v62 =	vand.u32 $0x7F, v4;
	v3 =	vsub.s32 v3, v6;
	v5 =	vor.u32 v61, v5  }
0x45: {  	v3 =	vmul.u32 $0x32, v3;
	v4 =	vor.u32 v62, v5;
	_ =	sdelay $0x1  }
0x46: {  	v3 =	vadd.s32 v7, v3  }
0x47: {  	s30 =	sshra.s32 s29, $0x2;
	v3 =	vadd.s32 $0x190, v3  }
0x48: {  	[tilespmem:v2+s30+$0x0 ss:$0x1] =	vst.idx.msk $0xffff, v3  }
0x49: {  	v3 =	vld.idx.msk [tilespmem:v4+s3+$0x0], $0xffff  }
0x4a: {  	s26 =	sadd.s32 $0x1, s26;
	v63 =	vshll.u32 v9, $0x2  }
0x4b: {  	p0 =	sne.s32 s26, $0x4;
	v4 =	vsub.s32 v54, v63  }
.Ltmp1:
0x4c: {  	v4 =	vmul.u32 $0x32, v4;
	(pc) =	sbr.rel @p0 .LBB2_2-.Ltmp1, $4  }
0x4d: {  	_ = 	snop  }
0x4e: {  	v3 =	vadd.s32 v3, v4  }
0x4f: {  	s31 =	sshra.s32 s28, $0x2;
	v3 =	vadd.s32 $0x190, v3  }
0x50: {  	s25 =	sadd.s32 $0x80, s25;
	s24 =	sadd.s32 $0x80, s24;
	[tilespmem:v2+s31+$0x0 ss:$0x1] =	vst.idx.msk $0xffff, v3  }
0x51: {  	[tilespmem:s14], [sflag:$0x1] =	stream.indirect.gather [hbm4b:s5+s12], $0x80, s13, s12, $0xb8;
	[tilespmem:$0x9200] =	vst v63  }
0x52: {  	_ = 	snop  }
0x53: {  	[tilespmem:s16], [sflag:$0x2] =	stream.indirect.gather [hbm4b:s5+s12], $0x80, s15, s12, $0xb8;
	[tilespmem:$0x9200] =	vst v63  }
0x54: {  	_ =	swait.ge [sflag:s17], $0x4000  }
0x55: {  	[sflag:s17] =	ssyncset.done $0x0  }
0x56: {  	[sflag:s17] =	ssyncadd.s32 $0xFFFFC000  }
0x57: {  	[hbm4b:s6+s3] =	stream.linear.scatter [tilespmem:s14], [sflag:$0x3], $0x4000, $0x38;
	[tilespmem:$0x9200] =	vst v63  }
0x58: {  	_ =	swait.ge [sflag:s18], $0x4000  }
0x59: {  	[sflag:s18] =	ssyncset.done $0x0  }
0x5a: {  	[sflag:s18] =	ssyncadd.s32 $0xFFFFC000  }
0x5b: {  	[tilespmem:s14], [sflag:$0x1] =	stream.indirect.gather [hbm4b:s5+s12], $0x80, s19, s12, $0xb8;
	[tilespmem:$0x9200] =	vst v63  }
0x5c: {  	_ =	swait.ge [sflag:s20], $0x4000  }
0x5d: {  	[sflag:s20] =	ssyncset.done $0x0  }
0x5e: {  	[sflag:s20] =	ssyncadd.s32 $0xFFFFC000  }
0x5f: {  	[hbm4b:s7+s3] =	stream.linear.scatter [tilespmem:s16], [sflag:$0x4], $0x4000, $0x38;
	[tilespmem:$0x9200] =	vst v63  }
0x60: {  	_ =	swait.ge [sflag:s21], $0x4000  }
0x61: {  	[sflag:s21] =	ssyncset.done $0x0  }
0x62: {  	[sflag:s21] =	ssyncadd.s32 $0xFFFFC000  }
0x63: {  	[tilespmem:s16], [sflag:$0x2] =	stream.indirect.gather [hbm4b:s5+s12], $0x80, s22, s12, $0xb8;
	[tilespmem:$0x9200] =	vst v63  }
0x64: {  	_ =	swait.ge [sflag:s17], $0x4000  }
0x65: {  	[sflag:s17] =	ssyncset.done $0x0  }
0x66: {  	[sflag:s17] =	ssyncadd.s32 $0xFFFFC000  }
0x67: {  	[hbm4b:s8+s3] =	stream.linear.scatter [tilespmem:s14], [sflag:$0x3], $0x4000, $0x38;
	[tilespmem:$0x9200] =	vst v63  }
0x68: {  	_ =	swait.ge [sflag:s20], $0x4000  }
0x69: {  	[sflag:s20] =	ssyncset.done $0x0  }
0x6a: {  	s23 =	sadd.s32 $0x1, s23;
	[sflag:s20] =	ssyncadd.s32 $0xFFFFC000  }
0x6b: {  	[hbm4b:s9+s3] =	stream.linear.scatter [tilespmem:s16], [sflag:$0x4], $0x4000, $0x38;
	[tilespmem:$0x9200] =	vst v63  }
0x6c: {  	p0 =	sne.s32 s23, s10;
	_ =	swait.ge [sflag:s18], $0x4000  }
.Ltmp2:
0x6d: {  	[sflag:s18] =	ssyncset.done $0x0;
	(pc) =	sbr.rel @p0 .LBB2_1-.Ltmp2, $4  }
0x6e: {  	[sflag:s18] =	ssyncadd.s32 $0xFFFFC000  }
0x6f: {  	_ =	swait.ge [sflag:s21], $0x4000  }
0x70: {  	[sflag:s21] =	ssyncset.done $0x0  }
0x71: {  	[sflag:s21] =	ssyncadd.s32 $0xFFFFC000  }
0x72: {  	_ =	sfence.sel $0x180000  }
0x73: {  	[bflag:$0x0] =	sbarrier.arrive $0xFFFF  }
0x74: {  	_ =	strace $0x90000047  }
0x75: {  	s0 =	stileid.u32;
	[bflag:$0x2] =	sbarrier.arrive $0xFFFF  }
0x76: {  	p0 =	sne.s32 s0, $0x0;
	s0 =	rddreg [dreg:$0x3]  }
0x77: {  	s0 =	sadd.s32 @!p0 $0x100000, s0  }
0x78: {  	[sflag:s0] =	ssyncadd.tile.s32 @!p0 $0x1;
	_ =	shalt  }
.Lfunc_end2:
_tile_overlayer_lowered:
.L_overlay_start_2:
0x79: {  	(tag) =	ssettag $0x2  }
0x7a: {  	s0 =	rddreg [dreg:$0x0];
	s2 =	stileid.u32  }
0x7b: {  	s1 =	rddreg [dreg:$0x1];
	p0 =	sne.s32 s2, $0x0  }
0x7c: {  	s3 =	rddreg [dreg:$0x2];
	[bflag:$0x3] =	sbarrier.arrive $0xFFFF;
	s2 =	simm.s32 @!p0 $0x1C05  }
0x7d: {  	[timem:s3], [sflag:s2] =	dma.local @!p0 [hbm:s0], s1  }
0x7e: {  	s0 =	simm.s32 @!p0 $0x5  }
0x7f: {  	_ =	swait.ge @!p0 [sflag:s0], s1  }
0x80: {  	s1 =	ssub.s32 @!p0 $0x0, s1;
	[sflag:s0] =	ssyncset.done @!p0 $0x0  }
0x81: {  	[sflag:s0] =	ssyncadd.s32 @!p0 s1  }
0x82: {  	[bflag:$0x3] =	sbarrier.arrive $0xFFFF  }
0x83: {  	_ =	shalt  }

</sc_bundles>
